<compile_context>
chip_gen: v7x
topology: tpu7x:2x2x1
jax: 0.10.2.dev20260603
libtpu: 0.0.44.dev20260713+nightly
codegen_flags: <defaults>
</compile_context>

<pallas_src>
import jax
import jax.numpy as jnp
from jax import lax
from jax.experimental import pallas as pl
from jax.experimental.pallas import tpu as pltpu
from jax.experimental.pallas import tpu_sc as plsc

_NUM_GRAPHS = 64
_N_TILES = 32
_FLAGS_W = 128
_LANES = 16


def _sc_flags_body(batch_hbm, out_hbm, chunk_v, flags_v):
    chunk = chunk_v.shape[0]
    n = batch_hbm.shape[0]
    full = n // chunk
    rem = n - full * chunk
    c = lax.axis_index("c")
    s = lax.axis_index("s")
    wid = s * 2 + c
    pad_v = jnp.full((_LANES,), _NUM_GRAPHS, jnp.int32)
    for i in range(chunk // _LANES):
        chunk_v[pl.ds(i * _LANES, _LANES)] = pad_v

    @pl.when(wid < full)
    def _():
        pltpu.sync_copy(batch_hbm.at[pl.ds(wid * chunk, chunk)], chunk_v)

    if rem:
        @pl.when(wid == full)
        def _():
            pltpu.sync_copy(batch_hbm.at[pl.ds(full * chunk, rem)],
                            chunk_v.at[pl.ds(0, rem)])

    zeros = jnp.zeros((_LANES,), jnp.float32)
    for i in range(_FLAGS_W // _LANES):
        flags_v[0, pl.ds(i * _LANES, _LANES)] = zeros
    ones = jnp.ones((_LANES,), jnp.float32)
    zero_idx = jnp.zeros((_LANES,), jnp.int32)
    for i in range(chunk // _LANES):
        vals = chunk_v[pl.ds(i * _LANES, _LANES)]
        plsc.store_scatter(flags_v, [zero_idx, vals], ones)
    pltpu.sync_copy(flags_v, out_hbm.at[pl.ds(wid, 1)])


def _elu(z):
    return jnp.where(z > 0, z, jnp.exp(z) - 1.0)


def _dot(a, b, dims):
    return lax.dot_general(a, b, (dims, ((), ())),
                           preferred_element_type=jnp.float32,
                           precision=lax.Precision.HIGHEST)


def _tc_body(emb_ref, w1_ref, b1_ref, w2_ref, b2_ref, fcw_ref, fcb_ref,
             flags_ref, out_ref):
    h1 = _elu(_dot(emb_ref[:], w1_ref[:], ((1,), (0,))) + b1_ref[:])
    v2 = _elu(_dot(h1, w2_ref[:], ((1,), (0,))) + b2_ref[:])
    w = _dot(v2, fcw_ref[:], ((1,), (0,)))
    fmax = jnp.max(flags_ref[:], axis=0, keepdims=True)
    row = lax.broadcasted_iota(jnp.int32, (_NUM_GRAPHS, _FLAGS_W), 0)
    col = lax.broadcasted_iota(jnp.int32, (_NUM_GRAPHS, _FLAGS_W), 1)
    sel = (row == col).astype(jnp.float32)
    flagcol = _dot(sel, fmax, ((1,), (1,)))
    out_ref[:] = _dot(flagcol, w, ((1,), (0,))) + fcb_ref[:]


def kernel(x, edge_index, batch, emb, W1, a_src1, a_dst1, b1, W2, a_src2,
           a_dst2, b2, fcW, fcb):
    n = batch.shape[0]
    chunk = -(-n // (_N_TILES * _LANES)) * _LANES

    sc_flags = pl.kernel(
        _sc_flags_body,
        out_type=jax.ShapeDtypeStruct((_N_TILES, _FLAGS_W), jnp.float32),
        mesh=plsc.VectorSubcoreMesh(core_axis_name="c", subcore_axis_name="s"),
        scratch_types=[pltpu.VMEM((chunk,), jnp.int32),
                       pltpu.VMEM((1, _FLAGS_W), jnp.float32)],
        compiler_params=pltpu.CompilerParams(needs_layout_passes=False),
    )
    flags32 = sc_flags(batch)

    out = pl.pallas_call(
        _tc_body,
        out_shape=jax.ShapeDtypeStruct((_NUM_GRAPHS, fcW.shape[1]),
                                       jnp.float32),
    )(emb, W1, b1.reshape(1, -1), W2, b2.reshape(1, -1), fcW,
      fcb.reshape(1, -1), flags32)
    return out

# --- scband reference (transcript-rebuilt; emitter-appended) ---
"""Pipeline reference for scband-simple-gat-87780541595690 (READ-ONLY COPY).

The authoritative reference and input builder live on the scoring server;
editing this copy changes nothing except your own understanding.
"""

import jax, jax.numpy as jnp
import numpy as np

N = 10000
E = 320000
IN_DIM = 128
HID = 64
HEADS = 4
OUT_DIM = 64
NUM_GRAPHS = 64


def _gat_layer(x, src, dst, W, a_src, a_dst, b, heads, out_dim, concat):
    n = x.shape[0]
    h = (x @ W).reshape(n, heads, out_dim)
    al_s = (h * a_src[None, :, :]).sum(-1)
    al_d = (h * a_dst[None, :, :]).sum(-1)
    e = jax.nn.leaky_relu(al_s[src] + al_d[dst], 0.2)
    m = jax.ops.segment_max(e, dst, num_segments=n)
    m = jnp.where(jnp.isfinite(m), m, 0.0)
    ex = jnp.exp(e - m[dst])
    denom = jax.ops.segment_sum(ex, dst, num_segments=n)
    alpha = ex / (denom[dst] + 1e-16)
    msg = h[src] * alpha[:, :, None]
    out = jax.ops.segment_sum(msg, dst, num_segments=n)
    if concat:
        out = out.reshape(n, heads * out_dim)
    else:
        out = out.mean(axis=1)
    return out + b


def setup_inputs(seed: int = 0):
    key = jax.random.key(seed)
    ks = jax.random.split(key, 12)
    x = jnp.zeros((N,), dtype=jnp.int32)
    edge_index = jax.random.randint(ks[0], (2, E), 0, N, dtype=jnp.int32)
    batch = jnp.sort(jax.random.randint(ks[1], (N,), 0, NUM_GRAPHS, dtype=jnp.int32))
    s = 0.05
    emb = jax.random.normal(ks[2], (1, IN_DIM), dtype=jnp.float32) * s
    W1 = jax.random.normal(ks[3], (IN_DIM, HEADS * HID), dtype=jnp.float32) * s
    a_src1 = jax.random.normal(ks[4], (HEADS, HID), dtype=jnp.float32) * s
    a_dst1 = jax.random.normal(ks[5], (HEADS, HID), dtype=jnp.float32) * s
    b1 = jnp.zeros((HEADS * HID,), dtype=jnp.float32)
    W2 = jax.random.normal(ks[6], (HEADS * HID, HID), dtype=jnp.float32) * s
    a_src2 = jax.random.normal(ks[7], (1, HID), dtype=jnp.float32) * s
    a_dst2 = jax.random.normal(ks[8], (1, HID), dtype=jnp.float32) * s
    b2 = jnp.zeros((HID,), dtype=jnp.float32)
    fcW = jax.random.normal(ks[9], (HID, OUT_DIM), dtype=jnp.float32) * s
    fcb = jnp.zeros((OUT_DIM,), dtype=jnp.float32)
    return dict(x=x, edge_index=edge_index, batch=batch, emb=emb, W1=W1, a_src1=a_src1, a_dst1=a_dst1, b1=b1, W2=W2, a_src2=a_src2, a_dst2=a_dst2, b2=b2, fcW=fcW, fcb=fcb)


def reference(x, edge_index, batch, emb, W1, a_src1, a_dst1, b1, W2, a_src2, a_dst2, b2, fcW, fcb):
    n = x.shape[0]
    ar = jnp.arange(n, dtype=edge_index.dtype)
    src = jnp.concatenate([edge_index[0], ar])
    dst = jnp.concatenate([edge_index[1], ar])
    h = emb[x]
    h = _gat_layer(h, src, dst, W1, a_src1, a_dst1, b1, HEADS, HID, True)
    h = jax.nn.elu(h)
    h = _gat_layer(h, src, dst, W2, a_src2, a_dst2, b2, 1, HID, False)
    h = jax.nn.elu(h)
    counts = jax.ops.segment_sum(jnp.ones((n,), h.dtype), batch, num_segments=NUM_GRAPHS)
    pooled = jax.ops.segment_sum(h, batch, num_segments=NUM_GRAPHS) / jnp.clip(counts, 1.0)[:, None]
    return pooled @ fcW + fcb

if __name__ == "__main__":
    import jax
    _d = setup_inputs()
    print(jax.jit(kernel)(*tuple(_d.values())))

</pallas_src>

<mosaic_0001>
#map = affine_map<(d0, d1) -> (0)>
#map1 = affine_map<(d0, d1) -> (0, 0)>
module attributes {stable_mosaic.version = 14 : i64} {
  func.func @_sc_flags_body(%arg0: i32, %arg1: i32, %arg2: memref<10000xi32, #tpu.memory_space<hbm>>, %arg3: memref<32x128xf32, #tpu.memory_space<hbm>>, %arg4: memref<320xi32, #tpu.memory_space<vmem>>, %arg5: memref<1x128xf32, #tpu.memory_space<vmem>>) attributes {dimension_semantics = [#tpu.dimension_semantics<core_parallel>, #tpu.dimension_semantics<subcore_parallel>], iteration_bounds = array<i64: 2, 16>, scalar_prefetch = 0 : i64, scratch_operands = 2 : i64, tpu.core_type = #tpu.core_type<sc_vector_subcore>, window_params = [{transform_indices = #map}, {transform_indices = #map1}]} {
    %mul3A = arith.constant 2 : i32
    %mul3A_0 = arith.muli %arg1, %mul3A : i32
    %add3A = arith.addi %mul3A_0, %arg0 : i32
    %broadcast_in_dim3A = arith.constant 64 : i32
    %broadcast_in_dim3A_1 = vector.broadcast %broadcast_in_dim3A : i32 to vector<16xi32>
    %swap3A = arith.constant 0 : index
    %swap3A_2 = tpu.vector_load %arg4[%swap3A] {strides = array<i32>} : memref<320xi32, #tpu.memory_space<vmem>>, vector<16xi32>,
    tpu.vector_store %arg4[%swap3A], %broadcast_in_dim3A_1 {strides = array<i32>} : memref<320xi32, #tpu.memory_space<vmem>>, vector<16xi32>,
    %swap3A_3 = arith.constant 16 : index
    %swap3A_4 = tpu.vector_load %arg4[%swap3A_3] {strides = array<i32>} : memref<320xi32, #tpu.memory_space<vmem>>, vector<16xi32>,
    tpu.vector_store %arg4[%swap3A_3], %broadcast_in_dim3A_1 {strides = array<i32>} : memref<320xi32, #tpu.memory_space<vmem>>, vector<16xi32>,
    %swap3A_5 = arith.constant 32 : index
    %swap3A_6 = tpu.vector_load %arg4[%swap3A_5] {strides = array<i32>} : memref<320xi32, #tpu.memory_space<vmem>>, vector<16xi32>,
    tpu.vector_store %arg4[%swap3A_5], %broadcast_in_dim3A_1 {strides = array<i32>} : memref<320xi32, #tpu.memory_space<vmem>>, vector<16xi32>,
    %swap3A_7 = arith.constant 48 : index
    %swap3A_8 = tpu.vector_load %arg4[%swap3A_7] {strides = array<i32>} : memref<320xi32, #tpu.memory_space<vmem>>, vector<16xi32>,
    tpu.vector_store %arg4[%swap3A_7], %broadcast_in_dim3A_1 {strides = array<i32>} : memref<320xi32, #tpu.memory_space<vmem>>, vector<16xi32>,
    %swap3A_9 = arith.constant 64 : index
    %swap3A_10 = tpu.vector_load %arg4[%swap3A_9] {strides = array<i32>} : memref<320xi32, #tpu.memory_space<vmem>>, vector<16xi32>,
    tpu.vector_store %arg4[%swap3A_9], %broadcast_in_dim3A_1 {strides = array<i32>} : memref<320xi32, #tpu.memory_space<vmem>>, vector<16xi32>,
    %swap3A_11 = arith.constant 80 : index
    %swap3A_12 = tpu.vector_load %arg4[%swap3A_11] {strides = array<i32>} : memref<320xi32, #tpu.memory_space<vmem>>, vector<16xi32>,
    tpu.vector_store %arg4[%swap3A_11], %broadcast_in_dim3A_1 {strides = array<i32>} : memref<320xi32, #tpu.memory_space<vmem>>, vector<16xi32>,
    %swap3A_13 = arith.constant 96 : index
    %swap3A_14 = tpu.vector_load %arg4[%swap3A_13] {strides = array<i32>} : memref<320xi32, #tpu.memory_space<vmem>>, vector<16xi32>,
    tpu.vector_store %arg4[%swap3A_13], %broadcast_in_dim3A_1 {strides = array<i32>} : memref<320xi32, #tpu.memory_space<vmem>>, vector<16xi32>,
    %swap3A_15 = arith.constant 112 : index
    %swap3A_16 = tpu.vector_load %arg4[%swap3A_15] {strides = array<i32>} : memref<320xi32, #tpu.memory_space<vmem>>, vector<16xi32>,
    tpu.vector_store %arg4[%swap3A_15], %broadcast_in_dim3A_1 {strides = array<i32>} : memref<320xi32, #tpu.memory_space<vmem>>, vector<16xi32>,
    %swap3A_17 = arith.constant 128 : index
    %swap3A_18 = tpu.vector_load %arg4[%swap3A_17] {strides = array<i32>} : memref<320xi32, #tpu.memory_space<vmem>>, vector<16xi32>,
    tpu.vector_store %arg4[%swap3A_17], %broadcast_in_dim3A_1 {strides = array<i32>} : memref<320xi32, #tpu.memory_space<vmem>>, vector<16xi32>,
    %swap3A_19 = arith.constant 144 : index
    %swap3A_20 = tpu.vector_load %arg4[%swap3A_19] {strides = array<i32>} : memref<320xi32, #tpu.memory_space<vmem>>, vector<16xi32>,
    tpu.vector_store %arg4[%swap3A_19], %broadcast_in_dim3A_1 {strides = array<i32>} : memref<320xi32, #tpu.memory_space<vmem>>, vector<16xi32>,
    %swap3A_21 = arith.constant 160 : index
    %swap3A_22 = tpu.vector_load %arg4[%swap3A_21] {strides = array<i32>} : memref<320xi32, #tpu.memory_space<vmem>>, vector<16xi32>,
    tpu.vector_store %arg4[%swap3A_21], %broadcast_in_dim3A_1 {strides = array<i32>} : memref<320xi32, #tpu.memory_space<vmem>>, vector<16xi32>,
    %swap3A_23 = arith.constant 176 : index
    %swap3A_24 = tpu.vector_load %arg4[%swap3A_23] {strides = array<i32>} : memref<320xi32, #tpu.memory_space<vmem>>, vector<16xi32>,
    tpu.vector_store %arg4[%swap3A_23], %broadcast_in_dim3A_1 {strides = array<i32>} : memref<320xi32, #tpu.memory_space<vmem>>, vector<16xi32>,
    %swap3A_25 = arith.constant 192 : index
    %swap3A_26 = tpu.vector_load %arg4[%swap3A_25] {strides = array<i32>} : memref<320xi32, #tpu.memory_space<vmem>>, vector<16xi32>,
    tpu.vector_store %arg4[%swap3A_25], %broadcast_in_dim3A_1 {strides = array<i32>} : memref<320xi32, #tpu.memory_space<vmem>>, vector<16xi32>,
    %swap3A_27 = arith.constant 208 : index
    %swap3A_28 = tpu.vector_load %arg4[%swap3A_27] {strides = array<i32>} : memref<320xi32, #tpu.memory_space<vmem>>, vector<16xi32>,
    tpu.vector_store %arg4[%swap3A_27], %broadcast_in_dim3A_1 {strides = array<i32>} : memref<320xi32, #tpu.memory_space<vmem>>, vector<16xi32>,
    %swap3A_29 = arith.constant 224 : index
    %swap3A_30 = tpu.vector_load %arg4[%swap3A_29] {strides = array<i32>} : memref<320xi32, #tpu.memory_space<vmem>>, vector<16xi32>,
    tpu.vector_store %arg4[%swap3A_29], %broadcast_in_dim3A_1 {strides = array<i32>} : memref<320xi32, #tpu.memory_space<vmem>>, vector<16xi32>,
    %swap3A_31 = arith.constant 240 : index
    %swap3A_32 = tpu.vector_load %arg4[%swap3A_31] {strides = array<i32>} : memref<320xi32, #tpu.memory_space<vmem>>, vector<16xi32>,
    tpu.vector_store %arg4[%swap3A_31], %broadcast_in_dim3A_1 {strides = array<i32>} : memref<320xi32, #tpu.memory_space<vmem>>, vector<16xi32>,
    %swap3A_33 = arith.constant 256 : index
    %swap3A_34 = tpu.vector_load %arg4[%swap3A_33] {strides = array<i32>} : memref<320xi32, #tpu.memory_space<vmem>>, vector<16xi32>,
    tpu.vector_store %arg4[%swap3A_33], %broadcast_in_dim3A_1 {strides = array<i32>} : memref<320xi32, #tpu.memory_space<vmem>>, vector<16xi32>,
    %swap3A_35 = arith.constant 272 : index
    %swap3A_36 = tpu.vector_load %arg4[%swap3A_35] {strides = array<i32>} : memref<320xi32, #tpu.memory_space<vmem>>, vector<16xi32>,
    tpu.vector_store %arg4[%swap3A_35], %broadcast_in_dim3A_1 {strides = array<i32>} : memref<320xi32, #tpu.memory_space<vmem>>, vector<16xi32>,
    %swap3A_37 = arith.constant 288 : index
    %swap3A_38 = tpu.vector_load %arg4[%swap3A_37] {strides = array<i32>} : memref<320xi32, #tpu.memory_space<vmem>>, vector<16xi32>,
    tpu.vector_store %arg4[%swap3A_37], %broadcast_in_dim3A_1 {strides = array<i32>} : memref<320xi32, #tpu.memory_space<vmem>>, vector<16xi32>,
    %swap3A_39 = arith.constant 304 : index
    %swap3A_40 = tpu.vector_load %arg4[%swap3A_39] {strides = array<i32>} : memref<320xi32, #tpu.memory_space<vmem>>, vector<16xi32>,
    tpu.vector_store %arg4[%swap3A_39], %broadcast_in_dim3A_1 {strides = array<i32>} : memref<320xi32, #tpu.memory_space<vmem>>, vector<16xi32>,
    %lt3A = arith.constant 31 : i32
    %lt3A_41 = arith.cmpi slt, %add3A, %lt3A : i32
    %convert_element_type3A = arith.extui %lt3A_41 : i1 to i32
    %cond3A = arith.constant 0 : i32
    %cond3A_42 = arith.cmpi ne, %convert_element_type3A, %cond3A : i32
    scf.if %cond3A_42 {
      %mul3A_124 = arith.constant 320 : i32
      %mul3A_125 = arith.muli %add3A, %mul3A_124 : i32
      "tpu.region"() ({
        %run_scoped3A = tpu.sem_alloc : memref<!tpu.dma_semaphore, #tpu.memory_space<semaphore_mem>>
        %dma_start3A = tpu.memref_slice %arg2[%mul3A_125] : memref<10000xi32, #tpu.memory_space<hbm>> -> memref<320xi32, #tpu.memory_space<hbm>>
        %dma_start3A_126 = tpu.memref_slice %arg2[%mul3A_125] : memref<10000xi32, #tpu.memory_space<hbm>> -> memref<320xi32, #tpu.memory_space<hbm>>
        tpu.enqueue_dma source(%dma_start3A_126 : memref<320xi32, #tpu.memory_space<hbm>>) target(%arg4 : memref<320xi32, #tpu.memory_space<vmem>>) target_semaphore(%run_scoped3A : memref<!tpu.dma_semaphore, #tpu.memory_space<semaphore_mem>>)
        %dma_wait3A = tpu.memref_slice %arg2[%mul3A_125] : memref<10000xi32, #tpu.memory_space<hbm>> -> memref<320xi32, #tpu.memory_space<hbm>>
        %dma_wait3A_127 = tpu.memref_slice %arg2[%mul3A_125] : memref<10000xi32, #tpu.memory_space<hbm>> -> memref<320xi32, #tpu.memory_space<hbm>>
        tpu.wait_dma2 semaphore(%run_scoped3A : memref<!tpu.dma_semaphore, #tpu.memory_space<semaphore_mem>>) src(%dma_wait3A_127 : memref<320xi32, #tpu.memory_space<hbm>>) dst(%arg4 : memref<320xi32, #tpu.memory_space<vmem>>)
        tpu.yield
      }) : () -> ()
    } else {
    }
    %eq3A = arith.constant 31 : i32
    %eq3A_43 = arith.cmpi eq, %add3A, %eq3A : i32
    %convert_element_type3A_44 = arith.extui %eq3A_43 : i1 to i32
    %cond3A_45 = arith.constant 0 : i32
    %cond3A_46 = arith.cmpi ne, %convert_element_type3A_44, %cond3A_45 : i32
    scf.if %cond3A_46 {
      "tpu.region"() ({
        %run_scoped3A = tpu.sem_alloc : memref<!tpu.dma_semaphore, #tpu.memory_space<semaphore_mem>>
        %dma_start3A = arith.constant 0 : i32
        %dma_start3A_124 = tpu.memref_slice %arg4[%dma_start3A] : memref<320xi32, #tpu.memory_space<vmem>> -> memref<80xi32, #tpu.memory_space<vmem>>
        %dma_start3A_125 = arith.constant 9920 : i32
        %dma_start3A_126 = tpu.memref_slice %arg2[%dma_start3A_125] : memref<10000xi32, #tpu.memory_space<hbm>> -> memref<80xi32, #tpu.memory_space<hbm>>
        %dma_start3A_127 = arith.constant 0 : i32
        %dma_start3A_128 = tpu.memref_slice %arg4[%dma_start3A_127] : memref<320xi32, #tpu.memory_space<vmem>> -> memref<80xi32, #tpu.memory_space<vmem>>
        %dma_start3A_129 = arith.constant 9920 : i32
        %dma_start3A_130 = tpu.memref_slice %arg2[%dma_start3A_129] : memref<10000xi32, #tpu.memory_space<hbm>> -> memref<80xi32, #tpu.memory_space<hbm>>
        tpu.enqueue_dma source(%dma_start3A_130 : memref<80xi32, #tpu.memory_space<hbm>>) target(%dma_start3A_128 : memref<80xi32, #tpu.memory_space<vmem>>) target_semaphore(%run_scoped3A : memref<!tpu.dma_semaphore, #tpu.memory_space<semaphore_mem>>)
        %dma_wait3A = arith.constant 0 : i32
        %dma_wait3A_131 = tpu.memref_slice %arg4[%dma_wait3A] : memref<320xi32, #tpu.memory_space<vmem>> -> memref<80xi32, #tpu.memory_space<vmem>>
        %dma_wait3A_132 = arith.constant 9920 : i32
        %dma_wait3A_133 = tpu.memref_slice %arg2[%dma_wait3A_132] : memref<10000xi32, #tpu.memory_space<hbm>> -> memref<80xi32, #tpu.memory_space<hbm>>
        %dma_wait3A_134 = arith.constant 0 : i32
        %dma_wait3A_135 = tpu.memref_slice %arg4[%dma_wait3A_134] : memref<320xi32, #tpu.memory_space<vmem>> -> memref<80xi32, #tpu.memory_space<vmem>>
        %dma_wait3A_136 = arith.constant 9920 : i32
        %dma_wait3A_137 = tpu.memref_slice %arg2[%dma_wait3A_136] : memref<10000xi32, #tpu.memory_space<hbm>> -> memref<80xi32, #tpu.memory_space<hbm>>
        tpu.wait_dma2 semaphore(%run_scoped3A : memref<!tpu.dma_semaphore, #tpu.memory_space<semaphore_mem>>) src(%dma_wait3A_137 : memref<80xi32, #tpu.memory_space<hbm>>) dst(%dma_wait3A_135 : memref<80xi32, #tpu.memory_space<vmem>>)
        tpu.yield
      }) : () -> ()
    } else {
    }
    %broadcast_in_dim3A_47 = arith.constant 0.000000e+00 : f32
    %broadcast_in_dim3A_48 = vector.broadcast %broadcast_in_dim3A_47 : f32 to vector<16xf32>
    %swap3A_49 = arith.constant 0 : i32
    %swap3A_50 = arith.index_cast %swap3A_49 : i32 to index
    %swap3A_51 = arith.constant 0 : index
    %swap3A_52 = tpu.vector_load %arg5[%swap3A_50, %swap3A_51] {strides = array<i32>} : memref<1x128xf32, #tpu.memory_space<vmem>>, vector<16xf32>,
    tpu.vector_store %arg5[%swap3A_50, %swap3A_51], %broadcast_in_dim3A_48 {strides = array<i32>} : memref<1x128xf32, #tpu.memory_space<vmem>>, vector<16xf32>,
    %swap3A_53 = arith.constant 0 : i32
    %swap3A_54 = arith.index_cast %swap3A_53 : i32 to index
    %swap3A_55 = arith.constant 16 : index
    %swap3A_56 = tpu.vector_load %arg5[%swap3A_54, %swap3A_55] {strides = array<i32>} : memref<1x128xf32, #tpu.memory_space<vmem>>, vector<16xf32>,
    tpu.vector_store %arg5[%swap3A_54, %swap3A_55], %broadcast_in_dim3A_48 {strides = array<i32>} : memref<1x128xf32, #tpu.memory_space<vmem>>, vector<16xf32>,
    %swap3A_57 = arith.constant 0 : i32
    %swap3A_58 = arith.index_cast %swap3A_57 : i32 to index
    %swap3A_59 = arith.constant 32 : index
    %swap3A_60 = tpu.vector_load %arg5[%swap3A_58, %swap3A_59] {strides = array<i32>} : memref<1x128xf32, #tpu.memory_space<vmem>>, vector<16xf32>,
    tpu.vector_store %arg5[%swap3A_58, %swap3A_59], %broadcast_in_dim3A_48 {strides = array<i32>} : memref<1x128xf32, #tpu.memory_space<vmem>>, vector<16xf32>,
    %swap3A_61 = arith.constant 0 : i32
    %swap3A_62 = arith.index_cast %swap3A_61 : i32 to index
    %swap3A_63 = arith.constant 48 : index
    %swap3A_64 = tpu.vector_load %arg5[%swap3A_62, %swap3A_63] {strides = array<i32>} : memref<1x128xf32, #tpu.memory_space<vmem>>, vector<16xf32>,
    tpu.vector_store %arg5[%swap3A_62, %swap3A_63], %broadcast_in_dim3A_48 {strides = array<i32>} : memref<1x128xf32, #tpu.memory_space<vmem>>, vector<16xf32>,
    %swap3A_65 = arith.constant 0 : i32
    %swap3A_66 = arith.index_cast %swap3A_65 : i32 to index
    %swap3A_67 = arith.constant 64 : index
    %swap3A_68 = tpu.vector_load %arg5[%swap3A_66, %swap3A_67] {strides = array<i32>} : memref<1x128xf32, #tpu.memory_space<vmem>>, vector<16xf32>,
    tpu.vector_store %arg5[%swap3A_66, %swap3A_67], %broadcast_in_dim3A_48 {strides = array<i32>} : memref<1x128xf32, #tpu.memory_space<vmem>>, vector<16xf32>,
    %swap3A_69 = arith.constant 0 : i32
    %swap3A_70 = arith.index_cast %swap3A_69 : i32 to index
    %swap3A_71 = arith.constant 80 : index
    %swap3A_72 = tpu.vector_load %arg5[%swap3A_70, %swap3A_71] {strides = array<i32>} : memref<1x128xf32, #tpu.memory_space<vmem>>, vector<16xf32>,
    tpu.vector_store %arg5[%swap3A_70, %swap3A_71], %broadcast_in_dim3A_48 {strides = array<i32>} : memref<1x128xf32, #tpu.memory_space<vmem>>, vector<16xf32>,
    %swap3A_73 = arith.constant 0 : i32
    %swap3A_74 = arith.index_cast %swap3A_73 : i32 to index
    %swap3A_75 = arith.constant 96 : index
    %swap3A_76 = tpu.vector_load %arg5[%swap3A_74, %swap3A_75] {strides = array<i32>} : memref<1x128xf32, #tpu.memory_space<vmem>>, vector<16xf32>,
    tpu.vector_store %arg5[%swap3A_74, %swap3A_75], %broadcast_in_dim3A_48 {strides = array<i32>} : memref<1x128xf32, #tpu.memory_space<vmem>>, vector<16xf32>,
    %swap3A_77 = arith.constant 0 : i32
    %swap3A_78 = arith.index_cast %swap3A_77 : i32 to index
    %swap3A_79 = arith.constant 112 : index
    %swap3A_80 = tpu.vector_load %arg5[%swap3A_78, %swap3A_79] {strides = array<i32>} : memref<1x128xf32, #tpu.memory_space<vmem>>, vector<16xf32>,
    tpu.vector_store %arg5[%swap3A_78, %swap3A_79], %broadcast_in_dim3A_48 {strides = array<i32>} : memref<1x128xf32, #tpu.memory_space<vmem>>, vector<16xf32>,
    %broadcast_in_dim3A_81 = arith.constant 1.000000e+00 : f32
    %broadcast_in_dim3A_82 = vector.broadcast %broadcast_in_dim3A_81 : f32 to vector<16xf32>
    %broadcast_in_dim3A_83 = arith.constant 0 : i32
    %broadcast_in_dim3A_84 = vector.broadcast %broadcast_in_dim3A_83 : i32 to vector<16xi32>
    %get3A = arith.constant 0 : index
    %get3A_85 = tpu.vector_load %arg4[%get3A] {strides = array<i32>} : memref<320xi32, #tpu.memory_space<vmem>>, vector<16xi32>,
    tpu.vector_store_idx %arg5[%broadcast_in_dim3A_84, %get3A_85], %broadcast_in_dim3A_82 : memref<1x128xf32, #tpu.memory_space<vmem>>[vector<16xi32>, vector<16xi32>], vector<16xf32>,
    %get3A_86 = arith.constant 16 : index
    %get3A_87 = tpu.vector_load %arg4[%get3A_86] {strides = array<i32>} : memref<320xi32, #tpu.memory_space<vmem>>, vector<16xi32>,
    tpu.vector_store_idx %arg5[%broadcast_in_dim3A_84, %get3A_87], %broadcast_in_dim3A_82 : memref<1x128xf32, #tpu.memory_space<vmem>>[vector<16xi32>, vector<16xi32>], vector<16xf32>,
    %get3A_88 = arith.constant 32 : index
    %get3A_89 = tpu.vector_load %arg4[%get3A_88] {strides = array<i32>} : memref<320xi32, #tpu.memory_space<vmem>>, vector<16xi32>,
    tpu.vector_store_idx %arg5[%broadcast_in_dim3A_84, %get3A_89], %broadcast_in_dim3A_82 : memref<1x128xf32, #tpu.memory_space<vmem>>[vector<16xi32>, vector<16xi32>], vector<16xf32>,
    %get3A_90 = arith.constant 48 : index
    %get3A_91 = tpu.vector_load %arg4[%get3A_90] {strides = array<i32>} : memref<320xi32, #tpu.memory_space<vmem>>, vector<16xi32>,
    tpu.vector_store_idx %arg5[%broadcast_in_dim3A_84, %get3A_91], %broadcast_in_dim3A_82 : memref<1x128xf32, #tpu.memory_space<vmem>>[vector<16xi32>, vector<16xi32>], vector<16xf32>,
    %get3A_92 = arith.constant 64 : index
    %get3A_93 = tpu.vector_load %arg4[%get3A_92] {strides = array<i32>} : memref<320xi32, #tpu.memory_space<vmem>>, vector<16xi32>,
    tpu.vector_store_idx %arg5[%broadcast_in_dim3A_84, %get3A_93], %broadcast_in_dim3A_82 : memref<1x128xf32, #tpu.memory_space<vmem>>[vector<16xi32>, vector<16xi32>], vector<16xf32>,
    %get3A_94 = arith.constant 80 : index
    %get3A_95 = tpu.vector_load %arg4[%get3A_94] {strides = array<i32>} : memref<320xi32, #tpu.memory_space<vmem>>, vector<16xi32>,
    tpu.vector_store_idx %arg5[%broadcast_in_dim3A_84, %get3A_95], %broadcast_in_dim3A_82 : memref<1x128xf32, #tpu.memory_space<vmem>>[vector<16xi32>, vector<16xi32>], vector<16xf32>,
    %get3A_96 = arith.constant 96 : index
    %get3A_97 = tpu.vector_load %arg4[%get3A_96] {strides = array<i32>} : memref<320xi32, #tpu.memory_space<vmem>>, vector<16xi32>,
    tpu.vector_store_idx %arg5[%broadcast_in_dim3A_84, %get3A_97], %broadcast_in_dim3A_82 : memref<1x128xf32, #tpu.memory_space<vmem>>[vector<16xi32>, vector<16xi32>], vector<16xf32>,
    %get3A_98 = arith.constant 112 : index
    %get3A_99 = tpu.vector_load %arg4[%get3A_98] {strides = array<i32>} : memref<320xi32, #tpu.memory_space<vmem>>, vector<16xi32>,
    tpu.vector_store_idx %arg5[%broadcast_in_dim3A_84, %get3A_99], %broadcast_in_dim3A_82 : memref<1x128xf32, #tpu.memory_space<vmem>>[vector<16xi32>, vector<16xi32>], vector<16xf32>,
    %get3A_100 = arith.constant 128 : index
    %get3A_101 = tpu.vector_load %arg4[%get3A_100] {strides = array<i32>} : memref<320xi32, #tpu.memory_space<vmem>>, vector<16xi32>,
    tpu.vector_store_idx %arg5[%broadcast_in_dim3A_84, %get3A_101], %broadcast_in_dim3A_82 : memref<1x128xf32, #tpu.memory_space<vmem>>[vector<16xi32>, vector<16xi32>], vector<16xf32>,
    %get3A_102 = arith.constant 144 : index
    %get3A_103 = tpu.vector_load %arg4[%get3A_102] {strides = array<i32>} : memref<320xi32, #tpu.memory_space<vmem>>, vector<16xi32>,
    tpu.vector_store_idx %arg5[%broadcast_in_dim3A_84, %get3A_103], %broadcast_in_dim3A_82 : memref<1x128xf32, #tpu.memory_space<vmem>>[vector<16xi32>, vector<16xi32>], vector<16xf32>,
    %get3A_104 = arith.constant 160 : index
    %get3A_105 = tpu.vector_load %arg4[%get3A_104] {strides = array<i32>} : memref<320xi32, #tpu.memory_space<vmem>>, vector<16xi32>,
    tpu.vector_store_idx %arg5[%broadcast_in_dim3A_84, %get3A_105], %broadcast_in_dim3A_82 : memref<1x128xf32, #tpu.memory_space<vmem>>[vector<16xi32>, vector<16xi32>], vector<16xf32>,
    %get3A_106 = arith.constant 176 : index
    %get3A_107 = tpu.vector_load %arg4[%get3A_106] {strides = array<i32>} : memref<320xi32, #tpu.memory_space<vmem>>, vector<16xi32>,
    tpu.vector_store_idx %arg5[%broadcast_in_dim3A_84, %get3A_107], %broadcast_in_dim3A_82 : memref<1x128xf32, #tpu.memory_space<vmem>>[vector<16xi32>, vector<16xi32>], vector<16xf32>,
    %get3A_108 = arith.constant 192 : index
    %get3A_109 = tpu.vector_load %arg4[%get3A_108] {strides = array<i32>} : memref<320xi32, #tpu.memory_space<vmem>>, vector<16xi32>,
    tpu.vector_store_idx %arg5[%broadcast_in_dim3A_84, %get3A_109], %broadcast_in_dim3A_82 : memref<1x128xf32, #tpu.memory_space<vmem>>[vector<16xi32>, vector<16xi32>], vector<16xf32>,
    %get3A_110 = arith.constant 208 : index
    %get3A_111 = tpu.vector_load %arg4[%get3A_110] {strides = array<i32>} : memref<320xi32, #tpu.memory_space<vmem>>, vector<16xi32>,
    tpu.vector_store_idx %arg5[%broadcast_in_dim3A_84, %get3A_111], %broadcast_in_dim3A_82 : memref<1x128xf32, #tpu.memory_space<vmem>>[vector<16xi32>, vector<16xi32>], vector<16xf32>,
    %get3A_112 = arith.constant 224 : index
    %get3A_113 = tpu.vector_load %arg4[%get3A_112] {strides = array<i32>} : memref<320xi32, #tpu.memory_space<vmem>>, vector<16xi32>,
    tpu.vector_store_idx %arg5[%broadcast_in_dim3A_84, %get3A_113], %broadcast_in_dim3A_82 : memref<1x128xf32, #tpu.memory_space<vmem>>[vector<16xi32>, vector<16xi32>], vector<16xf32>,
    %get3A_114 = arith.constant 240 : index
    %get3A_115 = tpu.vector_load %arg4[%get3A_114] {strides = array<i32>} : memref<320xi32, #tpu.memory_space<vmem>>, vector<16xi32>,
    tpu.vector_store_idx %arg5[%broadcast_in_dim3A_84, %get3A_115], %broadcast_in_dim3A_82 : memref<1x128xf32, #tpu.memory_space<vmem>>[vector<16xi32>, vector<16xi32>], vector<16xf32>,
    %get3A_116 = arith.constant 256 : index
    %get3A_117 = tpu.vector_load %arg4[%get3A_116] {strides = array<i32>} : memref<320xi32, #tpu.memory_space<vmem>>, vector<16xi32>,
    tpu.vector_store_idx %arg5[%broadcast_in_dim3A_84, %get3A_117], %broadcast_in_dim3A_82 : memref<1x128xf32, #tpu.memory_space<vmem>>[vector<16xi32>, vector<16xi32>], vector<16xf32>,
    %get3A_118 = arith.constant 272 : index
    %get3A_119 = tpu.vector_load %arg4[%get3A_118] {strides = array<i32>} : memref<320xi32, #tpu.memory_space<vmem>>, vector<16xi32>,
    tpu.vector_store_idx %arg5[%broadcast_in_dim3A_84, %get3A_119], %broadcast_in_dim3A_82 : memref<1x128xf32, #tpu.memory_space<vmem>>[vector<16xi32>, vector<16xi32>], vector<16xf32>,
    %get3A_120 = arith.constant 288 : index
    %get3A_121 = tpu.vector_load %arg4[%get3A_120] {strides = array<i32>} : memref<320xi32, #tpu.memory_space<vmem>>, vector<16xi32>,
    tpu.vector_store_idx %arg5[%broadcast_in_dim3A_84, %get3A_121], %broadcast_in_dim3A_82 : memref<1x128xf32, #tpu.memory_space<vmem>>[vector<16xi32>, vector<16xi32>], vector<16xf32>,
    %get3A_122 = arith.constant 304 : index
    %get3A_123 = tpu.vector_load %arg4[%get3A_122] {strides = array<i32>} : memref<320xi32, #tpu.memory_space<vmem>>, vector<16xi32>,
    tpu.vector_store_idx %arg5[%broadcast_in_dim3A_84, %get3A_123], %broadcast_in_dim3A_82 : memref<1x128xf32, #tpu.memory_space<vmem>>[vector<16xi32>, vector<16xi32>], vector<16xf32>,
    "tpu.region"() ({
      %run_scoped3A = tpu.sem_alloc : memref<!tpu.dma_semaphore, #tpu.memory_space<semaphore_mem>>
      %dma_start3A = arith.constant 0 : i32
      %dma_start3A_124 = tpu.memref_slice %arg3[%add3A, %dma_start3A] : memref<32x128xf32, #tpu.memory_space<hbm>> -> memref<1x128xf32, #tpu.memory_space<hbm>>
      %dma_start3A_125 = arith.constant 0 : i32
      %dma_start3A_126 = tpu.memref_slice %arg3[%add3A, %dma_start3A_125] : memref<32x128xf32, #tpu.memory_space<hbm>> -> memref<1x128xf32, #tpu.memory_space<hbm>>
      tpu.enqueue_dma source(%arg5 : memref<1x128xf32, #tpu.memory_space<vmem>>) target(%dma_start3A_126 : memref<1x128xf32, #tpu.memory_space<hbm>>) target_semaphore(%run_scoped3A : memref<!tpu.dma_semaphore, #tpu.memory_space<semaphore_mem>>)
      %dma_wait3A = arith.constant 0 : i32
      %dma_wait3A_127 = tpu.memref_slice %arg3[%add3A, %dma_wait3A] : memref<32x128xf32, #tpu.memory_space<hbm>> -> memref<1x128xf32, #tpu.memory_space<hbm>>
      %dma_wait3A_128 = arith.constant 0 : i32
      %dma_wait3A_129 = tpu.memref_slice %arg3[%add3A, %dma_wait3A_128] : memref<32x128xf32, #tpu.memory_space<hbm>> -> memref<1x128xf32, #tpu.memory_space<hbm>>
      tpu.wait_dma2 semaphore(%run_scoped3A : memref<!tpu.dma_semaphore, #tpu.memory_space<semaphore_mem>>) src(%arg5 : memref<1x128xf32, #tpu.memory_space<vmem>>) dst(%dma_wait3A_129 : memref<1x128xf32, #tpu.memory_space<hbm>>)
      tpu.yield
    }) : () -> ()
    return
  }
}

module attributes {stable_mosaic.version = 14 : i64} {
  func.func @_tc_body(%arg0: memref<1x128xf32, #tpu.memory_space<vmem>>, %arg1: memref<128x256xf32, #tpu.memory_space<vmem>>, %arg2: memref<1x256xf32, #tpu.memory_space<vmem>>, %arg3: memref<256x64xf32, #tpu.memory_space<vmem>>, %arg4: memref<1x64xf32, #tpu.memory_space<vmem>>, %arg5: memref<64x64xf32, #tpu.memory_space<vmem>>, %arg6: memref<1x64xf32, #tpu.memory_space<vmem>>, %arg7: memref<32x128xf32, #tpu.memory_space<vmem>>, %arg8: memref<64x64xf32, #tpu.memory_space<vmem>>) attributes {dimension_semantics = [], scalar_prefetch = 0 : i64, scratch_operands = 0 : i64, tpu.core_type = #tpu.core_type<tc>} {
    %get3A = arith.constant 0 : index
    %get3A_0 = arith.constant 0 : index
    %get3A_1 = vector.load %arg0[%get3A, %get3A_0] : memref<1x128xf32, #tpu.memory_space<vmem>>, vector<1x128xf32>
    %get3A_2 = arith.constant 0 : index
    %get3A_3 = arith.constant 0 : index
    %get3A_4 = vector.load %arg1[%get3A_2, %get3A_3] : memref<128x256xf32, #tpu.memory_space<vmem>>, vector<128x256xf32>
    %dot_general3A = arith.constant dense<0.000000e+00> : vector<1x256xf32>
    %dot_general3A_5 = tpu.matmul %get3A_1, %get3A_4, %dot_general3A {dimension_numbers = #tpu.dot_dimension_numbers<[1], [0], [0], [1], [0, 0, 1, 1], [], []>, precision = #tpu.contract_precision<fp32>, transpose_lhs_hint = false} : vector<1x128xf32>, vector<128x256xf32>, vector<1x256xf32> -> vector<1x256xf32>
    %get3A_6 = arith.constant 0 : index
    %get3A_7 = arith.constant 0 : index
    %get3A_8 = vector.load %arg2[%get3A_6, %get3A_7] : memref<1x256xf32, #tpu.memory_space<vmem>>, vector<1x256xf32>
    %add3A = arith.addf %dot_general3A_5, %get3A_8 : vector<1x256xf32>
    %gt3A = arith.constant 0.000000e+00 : f32
    %gt3A_9 = vector.broadcast %gt3A : f32 to vector<1x256xf32>
    %gt3A_10 = arith.cmpf ogt, %add3A, %gt3A_9 : vector<1x256xf32>
    %exp3A = math.exp %add3A : vector<1x256xf32>
    %sub3A = arith.constant 1.000000e+00 : f32
    %sub3A_11 = vector.broadcast %sub3A : f32 to vector<1x256xf32>
    %sub3A_12 = arith.subf %exp3A, %sub3A_11 : vector<1x256xf32>
    %select_n3A = arith.select %gt3A_10, %add3A, %sub3A_12 : vector<1x256xi1>, vector<1x256xf32>
    %get3A_13 = arith.constant 0 : index
    %get3A_14 = arith.constant 0 : index
    %get3A_15 = vector.load %arg3[%get3A_13, %get3A_14] : memref<256x64xf32, #tpu.memory_space<vmem>>, vector<256x64xf32>
    %dot_general3A_16 = arith.constant dense<0.000000e+00> : vector<1x64xf32>
    %dot_general3A_17 = tpu.matmul %select_n3A, %get3A_15, %dot_general3A_16 {dimension_numbers = #tpu.dot_dimension_numbers<[1], [0], [0], [1], [0, 0, 1, 1], [], []>, precision = #tpu.contract_precision<fp32>, transpose_lhs_hint = false} : vector<1x256xf32>, vector<256x64xf32>, vector<1x64xf32> -> vector<1x64xf32>
    %get3A_18 = arith.constant 0 : index
    %get3A_19 = arith.constant 0 : index
    %get3A_20 = vector.load %arg4[%get3A_18, %get3A_19] : memref<1x64xf32, #tpu.memory_space<vmem>>, vector<1x64xf32>
    %add3A_21 = arith.addf %dot_general3A_17, %get3A_20 : vector<1x64xf32>
    %gt3A_22 = arith.constant 0.000000e+00 : f32
    %gt3A_23 = vector.broadcast %gt3A_22 : f32 to vector<1x64xf32>
    %gt3A_24 = arith.cmpf ogt, %add3A_21, %gt3A_23 : vector<1x64xf32>
    %exp3A_25 = math.exp %add3A_21 : vector<1x64xf32>
    %sub3A_26 = arith.constant 1.000000e+00 : f32
    %sub3A_27 = vector.broadcast %sub3A_26 : f32 to vector<1x64xf32>
    %sub3A_28 = arith.subf %exp3A_25, %sub3A_27 : vector<1x64xf32>
    %select_n3A_29 = arith.select %gt3A_24, %add3A_21, %sub3A_28 : vector<1x64xi1>, vector<1x64xf32>
    %get3A_30 = arith.constant 0 : index
    %get3A_31 = arith.constant 0 : index
    %get3A_32 = vector.load %arg5[%get3A_30, %get3A_31] : memref<64x64xf32, #tpu.memory_space<vmem>>, vector<64x64xf32>
    %dot_general3A_33 = arith.constant dense<0.000000e+00> : vector<1x64xf32>
    %dot_general3A_34 = tpu.matmul %select_n3A_29, %get3A_32, %dot_general3A_33 {dimension_numbers = #tpu.dot_dimension_numbers<[1], [0], [0], [1], [0, 0, 1, 1], [], []>, precision = #tpu.contract_precision<fp32>, transpose_lhs_hint = false} : vector<1x64xf32>, vector<64x64xf32>, vector<1x64xf32> -> vector<1x64xf32>
    %get3A_35 = arith.constant 0 : index
    %get3A_36 = arith.constant 0 : index
    %get3A_37 = vector.load %arg7[%get3A_35, %get3A_36] : memref<32x128xf32, #tpu.memory_space<vmem>>, vector<32x128xf32>
    %reduce_max3A = arith.constant dense<0xFF800000> : vector<128xf32>
    %reduce_max3A_38 = vector.multi_reduction <maximumf>, %get3A_37, %reduce_max3A [0] : vector<32x128xf32> to vector<128xf32>
    %broadcast_in_dim3A = vector.shape_cast %reduce_max3A_38 : vector<128xf32> to vector<1x128xf32>
    %iota3A = tpu.iota {dimensions = array<i32: 0>} : vector<64x128xi32>
    %iota3A_39 = tpu.iota {dimensions = array<i32: 1>} : vector<64x128xi32>
    %eq3A = arith.cmpi eq, %iota3A, %iota3A_39 : vector<64x128xi32>
    %convert_element_type3A = arith.extui %eq3A : vector<64x128xi1> to vector<64x128xi32>
    %convert_element_type3A_40 = arith.sitofp %convert_element_type3A : vector<64x128xi32> to vector<64x128xf32>
    %dot_general3A_41 = arith.constant dense<0.000000e+00> : vector<64x1xf32>
    %dot_general3A_42 = tpu.matmul %convert_element_type3A_40, %broadcast_in_dim3A, %dot_general3A_41 {dimension_numbers = #tpu.dot_dimension_numbers<[1], [1], [0], [0], [0, 0, 1, 0], [], []>, precision = #tpu.contract_precision<fp32>, transpose_lhs_hint = false} : vector<64x128xf32>, vector<1x128xf32>, vector<64x1xf32> -> vector<64x1xf32>
    %dot_general3A_43 = arith.constant dense<0.000000e+00> : vector<64x64xf32>
    %dot_general3A_44 = tpu.matmul %dot_general3A_42, %dot_general3A_34, %dot_general3A_43 {dimension_numbers = #tpu.dot_dimension_numbers<[1], [0], [0], [1], [0, 0, 1, 1], [], []>, precision = #tpu.contract_precision<fp32>, transpose_lhs_hint = false} : vector<64x1xf32>, vector<1x64xf32>, vector<64x64xf32> -> vector<64x64xf32>
    %get3A_45 = arith.constant 0 : index
    %get3A_46 = arith.constant 0 : index
    %get3A_47 = vector.load %arg6[%get3A_45, %get3A_46] : memref<1x64xf32, #tpu.memory_space<vmem>>, vector<1x64xf32>
    %add3A_48 = vector.broadcast %get3A_47 : vector<1x64xf32> to vector<64x64xf32>
    %add3A_49 = arith.addf %dot_general3A_44, %add3A_48 : vector<64x64xf32>
    %swap3A = arith.constant 0 : index
    %swap3A_50 = arith.constant 0 : index
    %swap3A_51 = vector.load %arg8[%swap3A, %swap3A_50] : memref<64x64xf32, #tpu.memory_space<vmem>>, vector<64x64xf32>
    tpu.vector_store %arg8[%swap3A, %swap3A_50], %add3A_49 {strides = array<i32>} : memref<64x64xf32, #tpu.memory_space<vmem>>, vector<64x64xf32>,
    return
  }
}

</mosaic_0001>

<sc_bundles>
// kernel: kernel.4.cloned.1.call-start
scs
__scs_entry_jumppad:
0x0: {  	(pc) =	sbr.rel $0x88, $3  }
0x1: {  	(tag) =	ssettag $0x0;
	lr =	simm.s32 $0x1  }
0x2: {  	[smem:$0x3F99] =	sst lr;
	_ =	strace $0xD0000000  }
0x3: {  	_ = 	snop  }
0x4: {  	_ = 	snop  }
0x5: {  	_ = 	snop  }
0x6: {  	_ = 	snop  }
0x7: {  	_ = 	snop  }
__scs_overlays_trampoline_lowered:
0x8: {  	[smem:$0x3FA8] =	sst s0  }
0x9: {  	[smem:$0x3FA9] =	sst s1  }
0xa: {  	[smem:$0x3FAA] =	sst s2  }
0xb: {  	[smem:$0x3FAB] =	sst s3  }
0xc: {  	[smem:$0x3FAC] =	sst s4  }
0xd: {  	[smem:$0x3FAD] =	sst s5  }
0xe: {  	[smem:$0x3FAE] =	sst s6  }
0xf: {  	[smem:$0x3FAF] =	sst s7  }
0x10: {  	[smem:$0x3FB0] =	sst s8  }
0x11: {  	[smem:$0x3FB1] =	sst s9;
	s0 =	simm.s32 @!p0 $0x0  }
0x12: {  	s1 =	sld [smem:$0x3F97];
	s0 =	simm.s32 @p0 $0x1  }
0x13: {  	[smem:$0x3FB2] =	sst s0;
	s0 =	simm.s32 @!p1 $0x0  }
0x14: {  	s2 =	sld [smem:$0x3F96];
	s0 =	simm.s32 @p1 $0x1  }
0x15: {  	[smem:$0x3FB3] =	sst s0;
	s0 =	simm.s32 @!p2 $0x0  }
0x16: {  	s3 =	sld [smem:$0x3FDB];
	s0 =	simm.s32 @p2 $0x1  }
0x17: {  	s4 =	simm.s32 $0x1BF5;
	[smem:$0x3FB5] =	sst s0  }
0x18: {  	s0 =	sld [smem:$0x3F98];
	_ =	swait.ge [sflag:s4], $0x0  }
0x19: {  	s7 =	sld [smem:$0x3F99]  }
0x1a: {  	s8 =	sadd.s32 $0xFFFFE003, lr  }
0x1b: {  	s9 =	sadd.s32 $0xFFFFFEF7, lr;
	s5 =	simm.s32 $0xFFFFFFFF;
	p2 =	slt.u32 s8, $0xFFFFF086  }
0x1c: {  	p1 =	slt.u32 s9, $0xF7A;
	s5 =	simm.s32 @!p2 $0x0  }
0x1d: {  	s5 =	simm.s32 @p1 $0x1;
	p0 =	seq.s32 s7, s2  }
0x1e: {  	s7 =	smul.u32 @!p0 $0xF7A, s2;
	p2 =	seq.s32 @!p0 s5, $0x0  }
0x1f: {  	s9 =	smul.u32 $0xF7A, s1;
	s8 =	simm.s32 @!p0 $0x1BF5;
	p2 =	por !p2, p0  }
0x20: {  	[sflag:s8] =	ssyncset.s32 @!p0 $0xFFFFF086;
	s6 =	sadd.s32 @!p0 s3, s7;
	s7 =	simm.s32 @!p0 $0x108  }
0x21: {  	s3 =	sadd.s32 s3, s9;
	s6 =	sadd.s32 @!p0 $0x88, s6;
	s7 =	simm.s32 @p2 $0x1082  }
0x22: {  	[simem:s7], [sflag:s8] =	dma.local @!p0 [hbm:s6], $0xF7A  }
0x23: {  	s9 =	sor.u32 $0xD0000000, s2;
	s6 =	simm.s32 $0x108;
	_ =	swait.ge @!p0 [sflag:s8], $0x0  }
0x24: {  	s3 =	sadd.s32 $0x88, s3;
	s6 =	simm.s32 @!p1 $0x1082;
	[sflag:s4] =	ssyncset.s32 $0xFFFFF086  }
0x25: {  	[simem:s6], [sflag:s4] =	dma.local [hbm:s3], $0xF7A  }
0x26: {  	[smem:$0x3F99] =	sst s1;
	(tag) =	ssettag s2;
	_ =	strace s9  }
0x27: {  	s1 =	sld [smem:$0x3FA9]  }
0x28: {  	s2 =	sld [smem:$0x3FAA]  }
0x29: {  	s4 =	sld [smem:$0x3FAC]  }
0x2a: {  	p0 =	seq.s32 s5, $0x0;
	s5 =	sld [smem:$0x3FAD]  }
0x2b: {  	s6 =	sld [smem:$0x3FAE]  }
0x2c: {  	s7 =	sld [smem:$0x3FAF]  }
0x2d: {  	s3 =	simm.s32 $0x108;
	s8 =	sld [smem:$0x3FB0]  }
0x2e: {  	s3 =	simm.s32 @!p0 $0x1082;
	s9 =	sld [smem:$0x3FB1]  }
0x2f: {  	lr =	sadd.s32 s0, s3;
	s0 =	sld [smem:$0x3FA8]  }
0x30: {  	s3 =	sld [smem:$0x3FAB]  }
0x31: {  	[smem:$0x3FB4] =	sst s10  }
0x32: {  	s10 =	sld [smem:$0x3FB2];
	_ =	sdelay $0x3  }
0x33: {  	p0 =	seq.s32 s10, $0x1;
	s10 =	sld [smem:$0x3FB4];
	_ =	sdelay $0x3  }
0x34: {  	[smem:$0x3FB4] =	sst s10  }
0x35: {  	s10 =	sld [smem:$0x3FB3];
	_ =	sdelay $0x3  }
0x36: {  	p1 =	seq.s32 s10, $0x1;
	s10 =	sld [smem:$0x3FB4];
	_ =	sdelay $0x3  }
0x37: {  	[smem:$0x3FB4] =	sst s10  }
0x38: {  	s10 =	sld [smem:$0x3FB5]  }
0x39: {  	_ = 	snop;
	(pc) =	sbr.ind lr, $3  }
0x3a: {  	_ = 	snop  }
0x3b: {  	_ = 	snop  }
0x3c: {  	p2 =	seq.s32 s10, $0x1;
	s10 =	sld [smem:$0x3FB4]  }
0x3d: {  	_ =	shalt  }
0x3e: {  	_ =	shalt  }
0x3f: {  	_ =	shalt  }
0x40: {  	_ =	shalt  }
0x41: {  	_ =	shalt  }
0x42: {  	_ =	shalt  }
0x43: {  	_ =	shalt  }
0x44: {  	_ =	shalt  }
0x45: {  	_ =	shalt  }
0x46: {  	_ =	shalt  }
0x47: {  	_ =	shalt  }
0x48: {  	_ =	shalt  }
0x49: {  	_ =	shalt  }
0x4a: {  	_ =	shalt  }
0x4b: {  	_ =	shalt  }
0x4c: {  	_ =	shalt  }
0x4d: {  	_ =	shalt  }
0x4e: {  	_ =	shalt  }
0x4f: {  	_ =	shalt  }
0x50: {  	_ =	shalt  }
0x51: {  	_ =	shalt  }
0x52: {  	_ =	shalt  }
0x53: {  	_ =	shalt  }
0x54: {  	_ =	shalt  }
0x55: {  	_ =	shalt  }
0x56: {  	_ =	shalt  }
0x57: {  	_ =	shalt  }
0x58: {  	_ =	shalt  }
0x59: {  	_ =	shalt  }
0x5a: {  	_ =	shalt  }
0x5b: {  	_ =	shalt  }
0x5c: {  	_ =	shalt  }
0x5d: {  	_ =	shalt  }
0x5e: {  	_ =	shalt  }
0x5f: {  	_ =	shalt  }
0x60: {  	_ =	shalt  }
0x61: {  	_ =	shalt  }
0x62: {  	_ =	shalt  }
0x63: {  	_ =	shalt  }
0x64: {  	_ =	shalt  }
0x65: {  	_ =	shalt  }
0x66: {  	_ =	shalt  }
0x67: {  	_ =	shalt  }
0x68: {  	_ =	shalt  }
0x69: {  	_ =	shalt  }
0x6a: {  	_ =	shalt  }
0x6b: {  	_ =	shalt  }
0x6c: {  	_ =	shalt  }
0x6d: {  	_ =	shalt  }
0x6e: {  	_ =	shalt  }
0x6f: {  	_ =	shalt  }
0x70: {  	_ =	shalt  }
0x71: {  	_ =	shalt  }
0x72: {  	_ =	shalt  }
0x73: {  	_ =	shalt  }
0x74: {  	_ =	shalt  }
0x75: {  	_ =	shalt  }
0x76: {  	_ =	shalt  }
0x77: {  	_ =	shalt  }
0x78: {  	_ =	shalt  }
0x79: {  	_ =	shalt  }
0x7a: {  	_ =	shalt  }
0x7b: {  	_ =	shalt  }
0x7c: {  	_ =	shalt  }
0x7d: {  	_ =	shalt  }
0x7e: {  	_ =	shalt  }
0x7f: {  	_ =	shalt  }
0x80: {  	_ =	shalt  }
0x81: {  	_ =	shalt  }
0x82: {  	_ =	shalt  }
0x83: {  	_ =	shalt  }
0x84: {  	_ =	shalt  }
0x85: {  	_ =	shalt  }
0x86: {  	_ =	shalt  }
0x87: {  	_ =	shalt  }
.Lfunc_end0:
.L_simem_size_0:
called_computation_lowered:
.L_overlay_start_0:
0x88: {  	s2 =	sld [smem:$0x3FD9]  }
0x89: {  	s3 =	sld [smem:$0x3FFE];
	_ =	sdelay $0x1  }
0x8a: {  	s1 =	srdreg.scid  }
0x8b: {  	s0 =	sand.u32 $0x1, s1  }
0x8c: {  	s18 =	sshll.u32 s0, $0xA;
	s2 =	sadd.s32 s3, s2  }
0x8d: {  	s2 =	sadd.s32 s2, s18  }
0x8e: {  	[smem:$0x3FC0] =	sst s2  }
0x8f: {  	_ = 	snop  }
0x90: {  	s2 =	sld [smem:$0x3FC9]  }
0x91: {  	s19 =	sld [smem:$0x3FD0];
	(tm) =	ssettm $0x1  }
0x92: {  	s4 =	sld [smem:$0x3FFB];
	_ =	sdelay $0x3  }
0x93: {  	_ =	strace s4  }
0x94: {  	s4 =	sld [smem:$0x3FFC];
	_ =	sdelay $0x3  }
0x95: {  	_ =	strace s4  }
0x96: {  	s4 =	sld [smem:$0x3FFD];
	_ =	sdelay $0x3  }
0x97: {  	_ =	strace s4  }
0x98: {  	_ =	strace $0x8FFFFFFF  }
0x99: {  	s20 =	sld [smem:$0x3FDB];
	_ =	sdelay $0x1  }
0x9a: {  	s5 =	simm.s32 $_scs_section_size  }
0x9b: {  	s6 =	simm.s32 $_size__tile_overlayer_lowered;
	s7 =	simm.s32 $_tile_overlayer_lowered  }
0x9c: {  	s23 =	simm.s32 $0x1BFF;
	s22 =	sshll.u32 s7, $0x1;
	s4 =	sadd.s32 s5, s20  }
0x9d: {  	s8 =	simm.s32 $0x0;
	s21 =	sshll.u32 s6, $0x1;
	s6 =	sadd.s32 s22, s4  }
0x9e: {  	[timem:s8], [sflag:s23] =	dma.local [hbm:s6], s21  }
0x9f: {  	_ =	swait.ge [sflag:s23], s21  }
0xa0: {  	s5 =	ssub.s32 $0x0, s21;
	[sflag:s23] =	ssyncset.done $0x0  }
0xa1: {  	[sflag:s23] =	ssyncadd.s32 s5;
	_ =	sdelay $0x1  }
0xa2: {  	s24 =	simm.s32 $0x1B8B  }
0xa3: {  	_ =	swait.ge [sflag:s24], $0x1  }
0xa4: {  	[sflag:s24] =	ssyncset.done $0x0  }
0xa5: {  	s25 =	simm.s32 $0x1B8E;
	[sflag:s24] =	ssyncadd.s32 $0xFFFFFFFF  }
0xa6: {  	s26 =	simm.s32 $execute0_lowered;
	[smem:$0x3FD2] =	sst s25  }
0xa7: {  	s5 =	sshll.u32 s26, $0x1;
	_ =	strace $0x80000046;
	[dreg:$0x1] =	wrdreg $0xFFFFFFFF  }
0xa8: {  	s28 =	simm.s32 $_size_execute0_lowered;
	s4 =	sadd.s32 s4, s5;
	[dreg:$0x0] =	wrdreg $0x0  }
0xa9: {  	s5 =	sshll.u32 s28, $0x1;
	[dreg:$0x2] =	wrdreg s4  }
0xaa: {  	[dreg:$0x3] =	wrdreg s5  }
0xab: {  	[dreg:$0x4] =	wrdreg $0xC0  }
0xac: {  	_ =	task [dreg:s8], $0x5FFFF  }
0xad: {  	[dreg:$0x1] =	wrdreg $0xFFFFFFFF  }
0xae: {  	[dreg:$0x0] =	wrdreg $0x60  }
0xaf: {  	[dreg:$0x2] =	wrdreg s2  }
0xb0: {  	[dreg:$0x3] =	wrdreg s19  }
0xb1: {  	[dreg:$0x4] =	wrdreg $0x9  }
0xb2: {  	_ =	task.clear_ibuf [dreg:s8], $0x5FFFF;
	_ =	strace $0x90000046  }
0xb3: {  	s29 =	simm.s32 $0x9;
	_ =	strace $0x80000048  }
0xb4: {  	_ =	swait.ge [sflag:s29], $0x1  }
0xb5: {  	[sflag:s29] =	ssyncadd.s32 $0xFFFFFFFF  }
0xb6: {  	_ =	strace $0x90000048  }
0xb7: {  	_ =	sfence  }
0xb8: {  	s30 =	sld [smem:$0x0];
	_ =	sdelay $0x2  }
0xb9: {  	s31 =	sshll.u32 s1, $0xD;
	s1 =	sshrl.u32 s1, $0x2  }
0xba: {  	s3 =	sand.u32 $0x4000, s31;
	s1 =	sadd.s32 s1, s30  }
0xbb: {  	s0 =	sor.u32 s3, s0;
	s1 =	sshll.u32 s1, $0x11  }
0xbc: {  	s0 =	sor.u32 s1, s0  }
0xbd: {  	s0 =	sadd.s32 $0x8F2B, s0  }
0xbe: {  	[sflag:s0] =	ssyncadd.remote.s32 $0x1  }
0xbf: {  	_ =	sfence.sel $0xFFFF  }
0xc0: {  	[dreg:$0x0] =	wrdreg $0xFFFFFFFF;
	(pc) =	sbr.abs _section_cstart, $3  }
0xc1: {  	[dreg:$0x1] =	wrdreg $0xFFFFFFFF  }
0xc2: {  	_ =	task.clear_ibuf [dreg:s8], $0x2FFFF;
	_ =	strace $0x9FFFFFFF  }
0xc3: {  	(tm) =	ssettm $0x7FFFFFFF  }
tec
execute0_lowered:
.L_overlay_start_1:
0x0: {  	(tag) =	ssettag $0x1  }
0x1: {  	s4 =	rddreg [dreg:$0x0];
	s1 =	srdreg.scid  }
0x2: {  	s0 =	stileid.u32;
	s5 =	rddreg [dreg:$0x1];
	s2 =	simm.s32 $0x0  }
0x3: {  	s3 =	sand.u32 $0x1, s1;
	s6 =	sshll.u32 s0, $0x1;
	s1 =	rddreg [dreg:$0x2]  }
0x4: {  	[smem:$0x7FF] =	sst s2;
	s7 =	sor.u32 s3, s6;
	s3 =	ssub.s32 $0x2, s3  }
0x5: {  	_ =	strace $0x80000047;
	s6 =	smul.u32 $0x28, s7;
	s8 =	sshrl.u32 s3, $0x1  }
0x6: {  	s31 =	sshll.u32 s7, $0x4;
	p0 =	seq.s32 s7, $0x1F;
	s7 =	simm.s32 $0x180  }
0x7: {  	s8 =	ssub.s32 s3, s8;
	s5 =	sadd.s32 s5, s31;
	s3 =	sadd.s32 s4, s6  }
0x8: {  	v0 =	vimm.s32 $0x40;
	v1 =	vimm.f32 $0.0e+00;
	v2 =	vimm.f32 $1.000000000e+00;
	s4 =	sadd.s32 $0x4D8, s4;
	s6 =	smax.u32 s8, $0x1;
	s8 =	simm.s32 $0x1  }
.LBB2_1:
0x9: {  	[tilespmem:$0x0] =	vst v0  }
0xa: {  	[tilespmem:$0x10] =	vst v0  }
0xb: {  	[tilespmem:$0x20] =	vst v0  }
0xc: {  	[tilespmem:$0x30] =	vst v0  }
0xd: {  	[tilespmem:$0x40] =	vst v0  }
0xe: {  	[tilespmem:$0x50] =	vst v0  }
0xf: {  	[tilespmem:$0x60] =	vst v0  }
0x10: {  	[tilespmem:$0x70] =	vst v0  }
0x11: {  	[tilespmem:$0x80] =	vst v0  }
0x12: {  	[tilespmem:$0x90] =	vst v0  }
0x13: {  	[tilespmem:$0xA0] =	vst v0  }
0x14: {  	[tilespmem:$0xB0] =	vst v0  }
0x15: {  	[tilespmem:$0xC0] =	vst v0  }
0x16: {  	[tilespmem:$0xD0] =	vst v0  }
0x17: {  	[tilespmem:$0xE0] =	vst v0  }
0x18: {  	[tilespmem:$0xF0] =	vst v0  }
0x19: {  	[tilespmem:$0x100] =	vst v0  }
0x1a: {  	[tilespmem:$0x110] =	vst v0  }
0x1b: {  	[tilespmem:$0x120] =	vst v0  }
0x1c: {  	[tilespmem:$0x130] =	vst v0;
	s9 =	simm.s32 @p0 $0x0  }
0x1d: {  	[tilespmem:s9], [sflag:$0x1] =	stream.linear.gather @p0 [hbm4b:s4+s9], $0x50, $0x38;
	[tilespmem:$0x200] =	vst v63  }
0x1e: {  	s9 =	simm.s32 @p0 $0x1  }
0x1f: {  	_ =	swait.ge @p0 [sflag:s9], $0x50  }
0x20: {  	[sflag:s9] =	ssyncset.done @p0 $0x0  }
0x21: {  	[sflag:s9] =	ssyncadd.s32 @p0 $0xFFFFFFB0;
	s9 =	simm.s32 @!p0 $0x0  }
0x22: {  	[tilespmem:s9], [sflag:$0x1] =	stream.linear.gather @!p0 [hbm4b:s3+s9], $0x140, $0x38;
	[tilespmem:$0x200] =	vst v63  }
0x23: {  	s9 =	simm.s32 @!p0 $0x1  }
0x24: {  	_ =	swait.ge @!p0 [sflag:s9], $0x140  }
0x25: {  	[sflag:s9] =	ssyncset.done @!p0 $0x0  }
0x26: {  	[sflag:s9] =	ssyncadd.s32 @!p0 $0xFFFFFEC0  }
0x27: {  	[tilespmem:$0x180] =	vst v1;
	v3 =	vld [tilespmem:$0x0]  }
0x28: {  	[tilespmem:$0x190] =	vst v1  }
0x29: {  	[tilespmem:$0x1A0] =	vst v1  }
0x2a: {  	[tilespmem:$0x1B0] =	vst v1  }
0x2b: {  	[tilespmem:$0x1C0] =	vst v1  }
0x2c: {  	[tilespmem:$0x1D0] =	vst v1  }
0x2d: {  	[tilespmem:$0x1E0] =	vst v1  }
0x2e: {  	[tilespmem:$0x1F0] =	vst v1  }
0x2f: {  	[tilespmem:v3+s7+$0x0] =	vst.idx.msk $0xffff, v2  }
0x30: {  	v3 =	vld [tilespmem:$0x10];
	_ =	sdelay $0x7  }
0x31: {  	[tilespmem:v3+s7+$0x0] =	vst.idx.msk $0xffff, v2  }
0x32: {  	v3 =	vld [tilespmem:$0x20];
	_ =	sdelay $0x7  }
0x33: {  	[tilespmem:v3+s7+$0x0] =	vst.idx.msk $0xffff, v2  }
0x34: {  	v3 =	vld [tilespmem:$0x30];
	_ =	sdelay $0x7  }
0x35: {  	[tilespmem:v3+s7+$0x0] =	vst.idx.msk $0xffff, v2  }
0x36: {  	v3 =	vld [tilespmem:$0x40];
	_ =	sdelay $0x7  }
0x37: {  	[tilespmem:v3+s7+$0x0] =	vst.idx.msk $0xffff, v2  }
0x38: {  	v3 =	vld [tilespmem:$0x50];
	_ =	sdelay $0x7  }
0x39: {  	[tilespmem:v3+s7+$0x0] =	vst.idx.msk $0xffff, v2  }
0x3a: {  	v3 =	vld [tilespmem:$0x60];
	_ =	sdelay $0x7  }
0x3b: {  	[tilespmem:v3+s7+$0x0] =	vst.idx.msk $0xffff, v2  }
0x3c: {  	v3 =	vld [tilespmem:$0x70];
	_ =	sdelay $0x7  }
0x3d: {  	[tilespmem:v3+s7+$0x0] =	vst.idx.msk $0xffff, v2  }
0x3e: {  	v3 =	vld [tilespmem:$0x80];
	_ =	sdelay $0x7  }
0x3f: {  	[tilespmem:v3+s7+$0x0] =	vst.idx.msk $0xffff, v2  }
0x40: {  	v3 =	vld [tilespmem:$0x90];
	_ =	sdelay $0x7  }
0x41: {  	[tilespmem:v3+s7+$0x0] =	vst.idx.msk $0xffff, v2  }
0x42: {  	v3 =	vld [tilespmem:$0xA0];
	_ =	sdelay $0x7  }
0x43: {  	[tilespmem:v3+s7+$0x0] =	vst.idx.msk $0xffff, v2  }
0x44: {  	v3 =	vld [tilespmem:$0xB0];
	_ =	sdelay $0x7  }
0x45: {  	[tilespmem:v3+s7+$0x0] =	vst.idx.msk $0xffff, v2  }
0x46: {  	v3 =	vld [tilespmem:$0xC0];
	_ =	sdelay $0x7  }
0x47: {  	[tilespmem:v3+s7+$0x0] =	vst.idx.msk $0xffff, v2  }
0x48: {  	v3 =	vld [tilespmem:$0xD0];
	_ =	sdelay $0x7  }
0x49: {  	[tilespmem:v3+s7+$0x0] =	vst.idx.msk $0xffff, v2  }
0x4a: {  	v3 =	vld [tilespmem:$0xE0];
	_ =	sdelay $0x7  }
0x4b: {  	[tilespmem:v3+s7+$0x0] =	vst.idx.msk $0xffff, v2  }
0x4c: {  	v3 =	vld [tilespmem:$0xF0];
	_ =	sdelay $0x7  }
0x4d: {  	[tilespmem:v3+s7+$0x0] =	vst.idx.msk $0xffff, v2  }
0x4e: {  	v3 =	vld [tilespmem:$0x100];
	_ =	sdelay $0x7  }
0x4f: {  	[tilespmem:v3+s7+$0x0] =	vst.idx.msk $0xffff, v2  }
0x50: {  	v3 =	vld [tilespmem:$0x110];
	_ =	sdelay $0x7  }
0x51: {  	[tilespmem:v3+s7+$0x0] =	vst.idx.msk $0xffff, v2  }
0x52: {  	v3 =	vld [tilespmem:$0x120];
	_ =	sdelay $0x7  }
0x53: {  	[tilespmem:v3+s7+$0x0] =	vst.idx.msk $0xffff, v2  }
0x54: {  	v3 =	vld [tilespmem:$0x130];
	_ =	sdelay $0x5  }
0x55: {  	s6 =	sadd.s32 $0xFFFFFFFF, s6  }
0x56: {  	p1 =	sne.s32 s6, $0x0  }
.Ltmp0:
0x57: {  	[tilespmem:v3+s7+$0x0] =	vst.idx.msk $0xffff, v2;
	(pc) =	sbr.rel @p1 .LBB2_1-.Ltmp0, $4  }
0x58: {  	[hbm4b:s5+s2] =	stream.linear.scatter [tilespmem:s7], [sflag:$0x1], $0x80, $0x38;
	[tilespmem:$0x200] =	vst v63  }
0x59: {  	_ =	swait.ge [sflag:s8], $0x80  }
0x5a: {  	[sflag:s8] =	ssyncset.done $0x0  }
0x5b: {  	[sflag:s8] =	ssyncadd.s32 $0xFFFFFF80  }
0x5c: {  	_ =	sfence.sel $0x180000  }
0x5d: {  	[bflag:$0x0] =	sbarrier.arrive $0xFFFF  }
0x5e: {  	p0 =	sne.s32 s0, $0x0;
	_ =	strace $0x90000047  }
0x5f: {  	s0 =	sadd.s32 @!p0 $0x100000, s1;
	[bflag:$0x2] =	sbarrier.arrive $0xFFFF  }
0x60: {  	[sflag:s0] =	ssyncadd.tile.s32 @!p0 $0x1;
	_ =	shalt  }
.Lfunc_end2:
_tile_overlayer_lowered:
.L_overlay_start_2:
0x61: {  	(tag) =	ssettag $0x2  }
0x62: {  	s0 =	rddreg [dreg:$0x0];
	s2 =	stileid.u32  }
0x63: {  	s1 =	rddreg [dreg:$0x1];
	p0 =	sne.s32 s2, $0x0  }
0x64: {  	s3 =	rddreg [dreg:$0x2];
	[bflag:$0x3] =	sbarrier.arrive $0xFFFF;
	s2 =	simm.s32 @!p0 $0x1C01  }
0x65: {  	[timem:s3], [sflag:s2] =	dma.local @!p0 [hbm:s0], s1  }
0x66: {  	s0 =	simm.s32 @!p0 $0x1  }
0x67: {  	_ =	swait.ge @!p0 [sflag:s0], s1  }
0x68: {  	s1 =	ssub.s32 @!p0 $0x0, s1;
	[sflag:s0] =	ssyncset.done @!p0 $0x0  }
0x69: {  	[sflag:s0] =	ssyncadd.s32 @!p0 s1  }
0x6a: {  	[bflag:$0x3] =	sbarrier.arrive $0xFFFF  }
0x6b: {  	_ =	shalt  }

</sc_bundles>
